<compile_context>
chip_gen: v7x
topology: tpu7x:2x2x1
jax: 0.10.2.dev20260603
libtpu: 0.0.44.dev20260713+nightly
codegen_flags: <defaults>
</compile_context>

<pallas_src>
import dataclasses
import functools

import jax
import jax.numpy as jnp
from jax import lax
from jax.experimental import pallas as pl
from jax.experimental.pallas import tpu as pltpu
from jax.experimental.pallas import tpu_sc as plsc

N = 10000
R = 16
E = 320000
S = 4096
D = 128

NC = 2
NS = 16
NW = NC * NS
EPW = E // NW
CH = 80
NCH = EPW // CH
NBINS = 160256
BPW = NBINS // NS
NPAD = 10240
RPS = NPAD // NS

_mesh = plsc.VectorSubcoreMesh(core_axis_name="c", subcore_axis_name="s")

_cp = pltpu.CompilerParams()
if "needs_layout_passes" in pltpu.CompilerParams.__dataclass_fields__:
    _cp = dataclasses.replace(_cp, needs_layout_passes=False)


def _wid():
    return lax.axis_index("s") * NC + lax.axis_index("c")


@jax.jit
def _sc_mask(sub_idx, m_logits):
    @functools.partial(
        pl.kernel,
        out_type=jax.ShapeDtypeStruct((E,), jnp.float32),
        mesh=_mesh,
        scratch_types=[
            pltpu.VMEM((S,), jnp.int32),
            pltpu.VMEM((S,), jnp.float32),
            pltpu.VMEM((EPW,), jnp.float32),
            pltpu.SemaphoreType.DMA,
        ],
        compiler_params=_cp,
    )
    def k(idx_hbm, logit_hbm, out_hbm, idx_v, logit_v, buf, sem):
        wid = _wid()
        base = wid * EPW
        pltpu.async_copy(idx_hbm, idx_v, sem).wait()
        pltpu.async_copy(logit_hbm, logit_v, sem).wait()

        ones = jnp.full((16,), 1.0, jnp.float32)

        @pl.loop(0, EPW // 16)
        def _(i):
            buf[pl.ds(i * 16, 16)] = ones

        @pl.loop(0, S // 16)
        def _(j):
            iv = idx_v[pl.ds(j * 16, 16)]
            lv = logit_v[pl.ds(j * 16, 16)]
            val = 1.0 / (1.0 + jnp.exp(-lv))
            m = (iv >= base) & (iv < base + EPW)
            il = jnp.minimum(jnp.maximum(iv - base, 0), EPW - 1)
            plsc.store_scatter(buf, [il], val, mask=m)

        pltpu.async_copy(buf, out_hbm.at[pl.ds(base, EPW)], sem).wait()

    return k(sub_idx, m_logits)


@jax.jit
def _sc_hist(dst, rel):
    @functools.partial(
        pl.kernel,
        out_type=jax.ShapeDtypeStruct((NC * NBINS,), jnp.float32),
        mesh=_mesh,
        scratch_types=[
            pltpu.VMEM((EPW,), jnp.int32),
            pltpu.VMEM((EPW,), jnp.int32),
            pltpu.VMEM((NCH, CH), jnp.int32),
            pltpu.VMEM((BPW,), jnp.float32),
            pltpu.VMEM((CH,), jnp.float32),
            pltpu.VMEM_SHARED((NBINS,), jnp.float32),
            pltpu.SemaphoreType.DMA,
        ],
    )
    def k(dst_hbm, rel_hbm, out_hbm, dv, rv, key2d, zbuf, ones, binsh, sem):
        wid = _wid()
        sid = lax.axis_index("s")
        cid = lax.axis_index("c")
        base = wid * EPW
        pltpu.async_copy(dst_hbm.at[pl.ds(base, EPW)], dv, sem).wait()
        pltpu.async_copy(rel_hbm.at[pl.ds(base, EPW)], rv, sem).wait()

        z16 = jnp.zeros((16,), jnp.float32)
        o16 = jnp.full((16,), 1.0, jnp.float32)

        @pl.loop(0, CH // 16)
        def _(i):
            ones[pl.ds(i * 16, 16)] = o16

        @pl.loop(0, BPW // 16)
        def _(i):
            zbuf[pl.ds(i * 16, 16)] = z16

        @pl.loop(0, NCH)
        def _(c):
            @pl.loop(0, CH // 16)
            def _(j):
                kd = dv[pl.ds(c * CH + j * 16, 16)]
                kr = rv[pl.ds(c * CH + j * 16, 16)]
                key2d[c, pl.ds(j * 16, 16)] = kd * 16 + kr

        pltpu.async_copy(zbuf, binsh.at[pl.ds(sid * BPW, BPW)], sem).wait()
        plsc.subcore_barrier()

        @pl.loop(0, NCH)
        def _(c):
            pltpu.sync_copy(ones, binsh.at[key2d.at[c]], add=True)

        plsc.subcore_barrier()
        pltpu.sync_copy(binsh.at[pl.ds(sid * BPW, BPW)], zbuf)
        pltpu.async_copy(
            zbuf, out_hbm.at[pl.ds(cid * NBINS + sid * BPW, BPW)], sem).wait()

    return k(dst, rel)


@jax.jit
def _sc_agg(table, recflat, src, dst, rel):
    @functools.partial(
        pl.kernel,
        out_type=jax.ShapeDtypeStruct((NC, NPAD, D), jnp.float32),
        mesh=_mesh,
        scratch_types=[
            pltpu.VMEM((CH,), jnp.int32),
            pltpu.VMEM((CH,), jnp.int32),
            pltpu.VMEM((CH,), jnp.int32),
            pltpu.VMEM((2, CH), jnp.int32),
            pltpu.VMEM((2, CH), jnp.int32),
            pltpu.VMEM((2, CH), jnp.int32),
            pltpu.VMEM((2, CH, D), jnp.float32),
            pltpu.VMEM((2, CH), jnp.float32),
            pltpu.VMEM_SHARED((NPAD, D), jnp.float32),
            pltpu.SemaphoreType.DMA,
            pltpu.SemaphoreType.DMA,
            pltpu.SemaphoreType.DMA,
            pltpu.SemaphoreType.DMA,
            pltpu.SemaphoreType.DMA,
            pltpu.SemaphoreType.DMA,
            pltpu.SemaphoreType.DMA,
            pltpu.SemaphoreType.DMA,
            pltpu.SemaphoreType.DMA,
        ],
        compiler_params=_cp,
    )
    def k(tab_hbm, rec_hbm, src_hbm, dst_hbm, rel_hbm, out_hbm,
          bs, br, bd, bg, bl, dix, msg, normv, aggsh,
          si1, si2, si3, sg0, sg1, sn0, sn1, ss0, ss1):
        wid = _wid()
        sid = lax.axis_index("s")
        cid = lax.axis_index("c")
        base = wid * EPW
        sg = (sg0, sg1)
        sn = (sn0, sn1)
        ss = (ss0, ss1)

        z16 = jnp.zeros((16,), jnp.float32)

        @pl.loop(0, CH * (D // 16))
        def _(i):
            msg[0, i // (D // 16), pl.ds((i % (D // 16)) * 16, 16)] = z16

        for kblk in range(RPS // CH):
            pltpu.sync_copy(msg.at[0], aggsh.at[pl.ds(sid * RPS + kblk * CH, CH)])
        plsc.subcore_barrier()

        def idx_load(c):
            bc = base + c * CH
            pltpu.async_copy(src_hbm.at[pl.ds(bc, CH)], bs, si1)
            pltpu.async_copy(rel_hbm.at[pl.ds(bc, CH)], br, si2)
            pltpu.async_copy(dst_hbm.at[pl.ds(bc, CH)], bd, si3)

        def idx_wait_math(p):
            pltpu.make_async_copy(src_hbm.at[pl.ds(0, CH)], bs, si1).wait()
            pltpu.make_async_copy(rel_hbm.at[pl.ds(0, CH)], br, si2).wait()
            pltpu.make_async_copy(dst_hbm.at[pl.ds(0, CH)], bd, si3).wait()

            @pl.loop(0, CH // 16)
            def _(j):
                sl = pl.ds(j * 16, 16)
                d16 = bd[sl]
                r16 = br[sl]
                bg[p, sl] = r16 * N + bs[sl]
                bl[p, sl] = d16 * 16 + r16
                dix[p, sl] = d16

        def gathers(p):
            pltpu.async_copy(tab_hbm.at[bg.at[p]], msg.at[p], sg[p])
            pltpu.async_copy(rec_hbm.at[bl.at[p]], normv.at[p], sn[p])

        def wait_gathers(p):
            pltpu.make_async_copy(tab_hbm.at[bg.at[p]], msg.at[p], sg[p]).wait()
            pltpu.make_async_copy(rec_hbm.at[bl.at[p]], normv.at[p], sn[p]).wait()

        def scale(p):
            @pl.loop(0, CH)
            def _(e):
                ns = plsc.load_gather(
                    normv, [jnp.full((16,), p, jnp.int32),
                            jnp.full((16,), e, jnp.int32)])
                for kk in range(D // 16):
                    sl = pl.ds(kk * 16, 16)
                    msg[p, e, sl] = msg[p, e, sl] * ns

        def scatter(p):
            pltpu.async_copy(msg.at[p], aggsh.at[dix.at[p]], ss[p], add=True)

        def wait_scatter(p):
            pltpu.make_async_copy(msg.at[p], aggsh.at[dix.at[p]], ss[p]).wait()

        idx_load(0)
        idx_wait_math(0)
        gathers(0)
        idx_load(1)

        def body(c, p):
            q = 1 - p

            @pl.when(c >= 2)
            def _():
                wait_scatter(p)

            idx_wait_math(p)
            gathers(p)

            @pl.when(c < NCH - 1)
            def _():
                idx_load(c + 1)

            wait_gathers(q)
            scale(q)
            scatter(q)

        @pl.loop(0, (NCH - 1) // 2)
        def _(j):
            body(1 + 2 * j, 1)
            body(2 + 2 * j, 0)

        wait_gathers(0)
        scale(0)
        scatter(0)
        wait_scatter(1)
        wait_scatter(0)
        plsc.subcore_barrier()
        for kblk in range(RPS // CH):
            pltpu.sync_copy(aggsh.at[pl.ds(sid * RPS + kblk * CH, CH)], msg.at[0])
            pltpu.sync_copy(msg.at[0],
                            out_hbm.at[cid, pl.ds(sid * RPS + kblk * CH, CH)])

    return k(table, recflat, src, dst, rel)


NBUF = 4


@jax.jit
def _sc_gab(A, B, src, dst):
    @functools.partial(
        pl.kernel,
        out_type=[jax.ShapeDtypeStruct((E, D), jnp.float32),
                  jax.ShapeDtypeStruct((E, D), jnp.float32)],
        mesh=_mesh,
        scratch_types=[
            pltpu.VMEM((EPW,), jnp.int32),
            pltpu.VMEM((EPW,), jnp.int32),
            pltpu.VMEM((NBUF, CH, D), jnp.float32),
            pltpu.VMEM((NBUF, CH, D), jnp.float32),
        ] + [pltpu.SemaphoreType.DMA] * (4 * NBUF),
    )
    def k(a_hbm, b_hbm, src_hbm, dst_hbm, ga_hbm, gb_hbm,
          sv, dv, bufa, bufb, *sems):
        wid = _wid()
        base = wid * EPW
        sga = sems[0:NBUF]
        sgb = sems[NBUF:2 * NBUF]
        swa = sems[2 * NBUF:3 * NBUF]
        swb = sems[3 * NBUF:4 * NBUF]
        pltpu.async_copy(src_hbm.at[pl.ds(base, EPW)], sv, sga[0]).wait()
        pltpu.async_copy(dst_hbm.at[pl.ds(base, EPW)], dv, sga[0]).wait()

        def gath(c, p):
            pltpu.async_copy(a_hbm.at[sv.at[pl.ds(c * CH, CH)]],
                             bufa.at[p], sga[p])
            pltpu.async_copy(b_hbm.at[dv.at[pl.ds(c * CH, CH)]],
                             bufb.at[p], sgb[p])

        def wait_gath(p):
            pltpu.make_async_copy(a_hbm.at[sv.at[pl.ds(0, CH)]],
                                  bufa.at[p], sga[p]).wait()
            pltpu.make_async_copy(b_hbm.at[dv.at[pl.ds(0, CH)]],
                                  bufb.at[p], sgb[p]).wait()

        def wr(c, p):
            pltpu.async_copy(bufa.at[p], ga_hbm.at[pl.ds(base + c * CH, CH)],
                             swa[p])
            pltpu.async_copy(bufb.at[p], gb_hbm.at[pl.ds(base + c * CH, CH)],
                             swb[p])

        def wait_wr(p):
            pltpu.make_async_copy(bufa.at[p], ga_hbm.at[pl.ds(0, CH)],
                                  swa[p]).wait()
            pltpu.make_async_copy(bufb.at[p], gb_hbm.at[pl.ds(0, CH)],
                                  swb[p]).wait()

        for c0 in range(NBUF - 1):
            gath(c0, c0)

        def body(c, p):
            wait_gath(p)
            wr(c, p)

            @pl.when(c >= 1)
            def _():
                wait_wr((p + NBUF - 1) % NBUF)

            @pl.when(c + NBUF - 1 < NCH)
            def _():
                gath(c + NBUF - 1, (p + NBUF - 1) % NBUF)

        @pl.loop(0, (NCH - 1) // NBUF)
        def _(j):
            for pp in range(NBUF):
                body(NBUF * j + pp, pp)

        body(NCH - 1, (NCH - 1) % NBUF)
        wait_wr((NCH - 1) % NBUF)

    return k(A, B, src, dst)


def _recip_body(b_ref, o_ref):
    o_ref[...] = 1.0 / jnp.maximum(b_ref[0] + b_ref[1], 1.0)


@jax.jit
def _tc_recip(bins):
    nr = NBINS // 128
    return pl.pallas_call(
        _recip_body,
        out_shape=jax.ShapeDtypeStruct((nr, 128), jnp.float32),
    )(bins.reshape(NC, nr, 128))


def _proj_body(x_ref, w_ref, o_ref):
    o_ref[0] = jnp.dot(x_ref[...], w_ref[0],
                       preferred_element_type=jnp.float32)


@jax.jit
def _tc_proj(x, wcat):
    bn = 1000
    return pl.pallas_call(
        _proj_body,
        grid=(N // bn, R + 1),
        in_specs=[
            pl.BlockSpec((bn, D), lambda i, r: (i, 0)),
            pl.BlockSpec((1, D, D), lambda i, r: (r, 0, 0)),
        ],
        out_specs=pl.BlockSpec((1, bn, D), lambda i, r: (r, i, 0)),
        out_shape=jax.ShapeDtypeStruct((R + 1, N, D), jnp.float32),
    )(x, wcat)


def _layer_body(a_ref, xr_ref, b_ref, w_ref, o_ref):
    h = jnp.maximum(a_ref[0] + a_ref[1] + xr_ref[0] + b_ref[...], 0.0)
    o_ref[0] = jnp.dot(h, w_ref[0], preferred_element_type=jnp.float32)


@jax.jit
def _tc_layer(agg, proj_prev, b, wcat):
    bn = 1000
    return pl.pallas_call(
        _layer_body,
        grid=(N // bn, R + 1),
        in_specs=[
            pl.BlockSpec((NC, bn, D), lambda i, r: (0, i, 0)),
            pl.BlockSpec((1, bn, D), lambda i, r: (R, i, 0)),
            pl.BlockSpec((1, D), lambda i, r: (0, 0)),
            pl.BlockSpec((1, D, D), lambda i, r: (r, 0, 0)),
        ],
        out_specs=pl.BlockSpec((1, bn, D), lambda i, r: (r, i, 0)),
        out_shape=jax.ShapeDtypeStruct((R + 1, N, D), jnp.float32),
    )(agg, proj_prev, b, wcat)


def _head_body(a_ref, xr_ref, b_ref, wa_ref, wb_ref, bm_ref, oa_ref, ob_ref):
    h = jnp.maximum(a_ref[0] + a_ref[1] + xr_ref[0] + b_ref[...], 0.0)
    oa_ref[...] = jnp.dot(h, wa_ref[...],
                          preferred_element_type=jnp.float32) + bm_ref[...]
    ob_ref[...] = jnp.dot(h, wb_ref[...], preferred_element_type=jnp.float32)


@jax.jit
def _tc_head(agg, proj_prev, b, wa, wb, bm):
    bn = 1000
    return pl.pallas_call(
        _head_body,
        grid=(N // bn,),
        in_specs=[
            pl.BlockSpec((NC, bn, D), lambda i: (0, i, 0)),
            pl.BlockSpec((1, bn, D), lambda i: (R, i, 0)),
            pl.BlockSpec((1, D), lambda i: (0, 0)),
            pl.BlockSpec((D, D), lambda i: (0, 0)),
            pl.BlockSpec((D, D), lambda i: (0, 0)),
            pl.BlockSpec((1, D), lambda i: (0, 0)),
        ],
        out_specs=[pl.BlockSpec((bn, D), lambda i: (i, 0)),
                   pl.BlockSpec((bn, D), lambda i: (i, 0))],
        out_shape=[jax.ShapeDtypeStruct((N, D), jnp.float32),
                   jax.ShapeDtypeStruct((N, D), jnp.float32)],
    )(agg, proj_prev, b, wa, wb, bm)


def _mlp_body(e_ref, m_ref, ga_ref, gb_ref, wt_ref, w2_ref, b2_ref, o_ref):
    mtxt = e_ref[...] * m_ref[...]
    z = jnp.maximum(
        jnp.dot(mtxt, wt_ref[...], preferred_element_type=jnp.float32)
        + ga_ref[...] + gb_ref[...], 0.0)
    o_ref[...] = jnp.dot(z, w2_ref[...],
                         preferred_element_type=jnp.float32) + b2_ref[...]


@jax.jit
def _tc_mlp(etext, mask2d, ga, gb, wt, w2, b2):
    be = 2000
    return pl.pallas_call(
        _mlp_body,
        grid=(E // be,),
        in_specs=[
            pl.BlockSpec((be, D), lambda i: (i, 0)),
            pl.BlockSpec((be, 1), lambda i: (i, 0)),
            pl.BlockSpec((be, D), lambda i: (i, 0)),
            pl.BlockSpec((be, D), lambda i: (i, 0)),
            pl.BlockSpec((D, D), lambda i: (0, 0)),
            pl.BlockSpec((D, 1), lambda i: (0, 0)),
            pl.BlockSpec((1, 1), lambda i: (0, 0)),
        ],
        out_specs=pl.BlockSpec((be, 1), lambda i: (i, 0)),
        out_shape=jax.ShapeDtypeStruct((E, 1), jnp.float32),
    )(etext, mask2d, ga, gb, wt, w2, b2)


def kernel(full_edge_index, full_edge_type, full_edge_text_emb, sub_edge_idx,
           m_logits, node_emb, W1, root1, b1, W2, root2, b2, Wm1, bm1, Wm2, bm2):
    src = full_edge_index[0]
    dst = full_edge_index[1]
    rel = full_edge_type

    mask_full = _sc_mask(sub_edge_idx, m_logits)
    bins = _sc_hist(dst, rel)
    recip = _tc_recip(bins).reshape(NBINS)

    w1cat = jnp.concatenate([W1, root1[None]], axis=0)
    proj1 = _tc_proj(node_emb, w1cat)
    agg1 = _sc_agg(proj1.reshape((R + 1) * N, D), recip, src, dst, rel)

    w2cat = jnp.concatenate([W2, root2[None]], axis=0)
    proj2 = _tc_layer(agg1, proj1, b1.reshape(1, D), w2cat)
    agg2 = _sc_agg(proj2.reshape((R + 1) * N, D), recip, src, dst, rel)

    A, B = _tc_head(agg2, proj2, b2.reshape(1, D),
                    Wm1[:D], Wm1[D:2 * D], bm1.reshape(1, D))
    gA, gB = _sc_gab(A, B, src, dst)

    logits = _tc_mlp(full_edge_text_emb, mask_full.reshape(E, 1), gA, gB,
                     Wm1[2 * D:], Wm2, bm2.reshape(1, 1))
    return (logits.reshape(E), mask_full)

# --- scband reference (transcript-rebuilt; emitter-appended) ---
"""Pipeline reference for scband-edge-mask-counterfactual-70806830842664 (READ-ONLY COPY).

The authoritative reference and input builder live on the scoring server;
editing this copy changes nothing except your own understanding.
"""

import jax, jax.numpy as jnp
import numpy as np

N = 10000
R = 16
E = 320000
D = 128
H = 128
O = 128
T = 128
S = 4096


def setup_inputs(seed: int = 0) -> dict:
    key = jax.random.key(seed)
    ks = jax.random.split(key, 12)
    full_edge_index = jax.random.randint(ks[0], (2, E), 0, N, dtype=jnp.int32)
    full_edge_type = jax.random.randint(ks[1], (E,), 0, R, dtype=jnp.int32)
    full_edge_text_emb = jax.random.normal(ks[2], (E, T), dtype=jnp.float32)
    sub_edge_idx = jax.random.randint(ks[3], (S,), 0, E, dtype=jnp.int32)
    m_logits = jnp.zeros((S,), dtype=jnp.float32)
    # learned parameters (eval mode; dropout is identity)
    node_emb = jax.random.normal(ks[4], (N, D), dtype=jnp.float32) * 0.05
    W1 = jax.random.normal(ks[5], (R, D, H), dtype=jnp.float32) / np.sqrt(D)
    root1 = jax.random.normal(ks[6], (D, H), dtype=jnp.float32) / np.sqrt(D)
    b1 = jnp.zeros((H,), dtype=jnp.float32)
    W2 = jax.random.normal(ks[7], (R, H, O), dtype=jnp.float32) / np.sqrt(H)
    root2 = jax.random.normal(ks[8], (H, O), dtype=jnp.float32) / np.sqrt(H)
    b2 = jnp.zeros((O,), dtype=jnp.float32)
    Wm1 = jax.random.normal(ks[9], (2 * O + T, H), dtype=jnp.float32) / np.sqrt(2 * O + T)
    bm1 = jnp.zeros((H,), dtype=jnp.float32)
    Wm2 = jax.random.normal(ks[10], (H, 1), dtype=jnp.float32) / np.sqrt(H)
    bm2 = jnp.zeros((1,), dtype=jnp.float32)
    return dict(full_edge_index=full_edge_index, full_edge_type=full_edge_type,
                full_edge_text_emb=full_edge_text_emb, sub_edge_idx=sub_edge_idx,
                m_logits=m_logits, node_emb=node_emb, W1=W1, root1=root1, b1=b1,
                W2=W2, root2=root2, b2=b2, Wm1=Wm1, bm1=bm1, Wm2=Wm2, bm2=bm2)


def _rgcn(x, W, root, b, src, dst, rel):
    # per-relation projection of all nodes: [N, R, out]
    all_proj = jnp.einsum('nd,rdo->nro', x, W)
    # per-edge message gather (SparseCore-style gather)
    msg = all_proj[src, rel]
    # mean aggregation per (dst, relation) pair, as in PyG RGCNConv
    keyid = dst * R + rel
    deg = jnp.bincount(keyid, length=N * R)
    norm = 1.0 / jnp.maximum(deg[keyid], 1).astype(msg.dtype)
    msg = msg * norm[:, None]
    agg = jax.ops.segment_sum(msg, dst, num_segments=N)
    return agg + x @ root + b


def reference(full_edge_index, full_edge_type, full_edge_text_emb, sub_edge_idx,
              m_logits, node_emb, W1, root1, b1, W2, root2, b2, Wm1, bm1, Wm2, bm2):
    src = full_edge_index[0]
    dst = full_edge_index[1]
    rel = full_edge_type
    # counterfactual edge mask (scatter-overwrite)
    mask_full = jnp.ones((E,), dtype=full_edge_text_emb.dtype).at[sub_edge_idx].set(
        jax.nn.sigmoid(m_logits))
    masked_e_text = full_edge_text_emb * mask_full[:, None]
    # EdgeAnomalyModel forward (eval; dropout = identity); x0 = node_emb(arange(N))
    h = jax.nn.relu(_rgcn(node_emb, W1, root1, b1, src, dst, rel))
    h = jax.nn.relu(_rgcn(h, W2, root2, b2, src, dst, rel))
    e_repr = jnp.concatenate([h[src], h[dst], masked_e_text], axis=-1)
    logits = (jax.nn.relu(e_repr @ Wm1 + bm1) @ Wm2 + bm2)[:, 0]
    return (logits, mask_full)

if __name__ == "__main__":
    import jax
    _d = setup_inputs()
    print(jax.jit(kernel)(*tuple(_d.values())))

</pallas_src>

<mosaic_0001>
#map = affine_map<(d0, d1) -> (0)>
module attributes {stable_mosaic.version = 14 : i64} {
  func.func @k(%arg0: i32, %arg1: i32, %arg2: memref<4096xi32, #tpu.memory_space<hbm>>, %arg3: memref<4096xf32, #tpu.memory_space<hbm>>, %arg4: memref<320000xf32, #tpu.memory_space<hbm>>, %arg5: memref<4096xi32, #tpu.memory_space<vmem>>, %arg6: memref<4096xf32, #tpu.memory_space<vmem>>, %arg7: memref<10000xf32, #tpu.memory_space<vmem>>, %arg8: memref<!tpu.dma_semaphore, #tpu.memory_space<semaphore_mem>>) attributes {dimension_semantics = [#tpu.dimension_semantics<core_parallel>, #tpu.dimension_semantics<subcore_parallel>], iteration_bounds = array<i64: 2, 16>, scalar_prefetch = 0 : i64, scratch_operands = 4 : i64, tpu.core_type = #tpu.core_type<sc_vector_subcore>, window_params = [{transform_indices = #map}, {transform_indices = #map}, {transform_indices = #map}]} {
    %mul3A = arith.constant 2 : i32
    %mul3A_0 = arith.muli %arg1, %mul3A : i32
    %add3A = arith.addi %mul3A_0, %arg0 : i32
    %mul3A_1 = arith.constant 10000 : i32
    %mul3A_2 = arith.muli %add3A, %mul3A_1 : i32
    tpu.enqueue_dma source(%arg2 : memref<4096xi32, #tpu.memory_space<hbm>>) target(%arg5 : memref<4096xi32, #tpu.memory_space<vmem>>) target_semaphore(%arg8 : memref<!tpu.dma_semaphore, #tpu.memory_space<semaphore_mem>>)
    tpu.wait_dma2 semaphore(%arg8 : memref<!tpu.dma_semaphore, #tpu.memory_space<semaphore_mem>>) src(%arg2 : memref<4096xi32, #tpu.memory_space<hbm>>) dst(%arg5 : memref<4096xi32, #tpu.memory_space<vmem>>)
    tpu.enqueue_dma source(%arg3 : memref<4096xf32, #tpu.memory_space<hbm>>) target(%arg6 : memref<4096xf32, #tpu.memory_space<vmem>>) target_semaphore(%arg8 : memref<!tpu.dma_semaphore, #tpu.memory_space<semaphore_mem>>)
    tpu.wait_dma2 semaphore(%arg8 : memref<!tpu.dma_semaphore, #tpu.memory_space<semaphore_mem>>) src(%arg3 : memref<4096xf32, #tpu.memory_space<hbm>>) dst(%arg6 : memref<4096xf32, #tpu.memory_space<vmem>>)
    %broadcast_in_dim3A = arith.constant 1.000000e+00 : f32
    %broadcast_in_dim3A_3 = vector.broadcast %broadcast_in_dim3A : f32 to vector<16xf32>
    %scan3A = arith.constant 0 : i32
    %scan3A_4 = arith.constant 625 : i32
    %scan3A_5 = arith.addi %scan3A, %scan3A_4 : i32
    %scan3A_6 = arith.constant 1 : i32
    scf.for %scan3A_15 = %scan3A to %scan3A_5 step %scan3A_6  : i32 {
      %mul3A_16 = arith.constant 1 : i32
      %mul3A_17 = arith.muli %scan3A_15, %mul3A_16 : i32
      %add3A_18 = arith.constant 0 : i32
      %add3A_19 = arith.addi %add3A_18, %mul3A_17 : i32
      %mul3A_20 = arith.constant 16 : i32
      %mul3A_21 = arith.muli %add3A_19, %mul3A_20 : i32
      %swap3A = arith.index_cast %mul3A_21 : i32 to index
      %swap3A_22 = tpu.vector_load %arg7[%swap3A] {strides = array<i32>} : memref<10000xf32, #tpu.memory_space<vmem>>, vector<16xf32>,
      tpu.vector_store %arg7[%swap3A], %broadcast_in_dim3A_3 {strides = array<i32>} : memref<10000xf32, #tpu.memory_space<vmem>>, vector<16xf32>,
    }
    %scan3A_7 = arith.constant 625 : i32
    %scan3A_8 = arith.constant 0 : i32
    %scan3A_9 = arith.constant 256 : i32
    %scan3A_10 = arith.addi %scan3A_8, %scan3A_9 : i32
    %scan3A_11 = arith.constant 1 : i32
    scf.for %scan3A_15 = %scan3A_8 to %scan3A_10 step %scan3A_11  : i32 {
      %mul3A_16 = arith.constant 1 : i32
      %mul3A_17 = arith.muli %scan3A_15, %mul3A_16 : i32
      %add3A_18 = arith.constant 0 : i32
      %add3A_19 = arith.addi %add3A_18, %mul3A_17 : i32
      %mul3A_20 = arith.constant 16 : i32
      %mul3A_21 = arith.muli %add3A_19, %mul3A_20 : i32
      %get3A = arith.index_cast %mul3A_21 : i32 to index
      %get3A_22 = tpu.vector_load %arg5[%get3A] {strides = array<i32>} : memref<4096xi32, #tpu.memory_space<vmem>>, vector<16xi32>,
      %mul3A_23 = arith.constant 16 : i32
      %mul3A_24 = arith.muli %add3A_19, %mul3A_23 : i32
      %get3A_25 = arith.index_cast %mul3A_24 : i32 to index
      %get3A_26 = tpu.vector_load %arg6[%get3A_25] {strides = array<i32>} : memref<4096xf32, #tpu.memory_space<vmem>>, vector<16xf32>,
      %neg3A = arith.constant 0.000000e+00 : f32
      %neg3A_27 = vector.broadcast %neg3A : f32 to vector<16xf32>
      %neg3A_28 = arith.subf %neg3A_27, %get3A_26 : vector<16xf32>
      %exp3A = math.exp %neg3A_28 : vector<16xf32>
      %add3A_29 = arith.constant 1.000000e+00 : f32
      %add3A_30 = vector.broadcast %add3A_29 : f32 to vector<16xf32>
      %add3A_31 = arith.addf %add3A_30, %exp3A : vector<16xf32>
      %div3A = arith.constant 1.000000e+00 : f32
      %div3A_32 = vector.broadcast %div3A : f32 to vector<16xf32>
      %div3A_33 = arith.divf %div3A_32, %add3A_31 : vector<16xf32>
      %ge3A = vector.broadcast %mul3A_2 : i32 to vector<16xi32>
      %ge3A_34 = arith.cmpi sge, %get3A_22, %ge3A : vector<16xi32>
      %add3A_35 = arith.constant 10000 : i32
      %add3A_36 = arith.addi %mul3A_2, %add3A_35 : i32
      %lt3A = vector.broadcast %add3A_36 : i32 to vector<16xi32>
      %lt3A_37 = arith.cmpi slt, %get3A_22, %lt3A : vector<16xi32>
      %and3A = arith.andi %ge3A_34, %lt3A_37 : vector<16xi1>
      %sub3A = vector.broadcast %mul3A_2 : i32 to vector<16xi32>
      %sub3A_38 = arith.subi %get3A_22, %sub3A : vector<16xi32>
      %max3A = arith.constant 0 : i32
      %max3A_39 = vector.broadcast %max3A : i32 to vector<16xi32>
      %max3A_40 = arith.maxsi %sub3A_38, %max3A_39 : vector<16xi32>
      %min3A = arith.constant 9999 : i32
      %min3A_41 = vector.broadcast %min3A : i32 to vector<16xi32>
      %min3A_42 = arith.minsi %max3A_40, %min3A_41 : vector<16xi32>
      tpu.vector_store_idx %arg7[%min3A_42], %div3A_33 masked %and3A : memref<10000xf32, #tpu.memory_space<vmem>>[vector<16xi32>], vector<16xf32>, vector<16xi1>
    }
    %scan3A_12 = arith.constant 256 : i32
    %dma_start3A = tpu.memref_slice %arg4[%mul3A_2] : memref<320000xf32, #tpu.memory_space<hbm>> -> memref<10000xf32, #tpu.memory_space<hbm>>
    %dma_start3A_13 = tpu.memref_slice %arg4[%mul3A_2] : memref<320000xf32, #tpu.memory_space<hbm>> -> memref<10000xf32, #tpu.memory_space<hbm>>
    tpu.enqueue_dma source(%arg7 : memref<10000xf32, #tpu.memory_space<vmem>>) target(%dma_start3A_13 : memref<10000xf32, #tpu.memory_space<hbm>>) target_semaphore(%arg8 : memref<!tpu.dma_semaphore, #tpu.memory_space<semaphore_mem>>)
    %dma_wait3A = tpu.memref_slice %arg4[%mul3A_2] : memref<320000xf32, #tpu.memory_space<hbm>> -> memref<10000xf32, #tpu.memory_space<hbm>>
    %dma_wait3A_14 = tpu.memref_slice %arg4[%mul3A_2] : memref<320000xf32, #tpu.memory_space<hbm>> -> memref<10000xf32, #tpu.memory_space<hbm>>
    tpu.wait_dma2 semaphore(%arg8 : memref<!tpu.dma_semaphore, #tpu.memory_space<semaphore_mem>>) src(%arg7 : memref<10000xf32, #tpu.memory_space<vmem>>) dst(%dma_wait3A_14 : memref<10000xf32, #tpu.memory_space<hbm>>)
    return
  }
}

</mosaic_0001>

<sc_bundles>
// kernel: _sc_mask.3.cloned.1.call-start
scs
__scs_entry_jumppad:
0x0: {  	(pc) =	sbr.rel $0x88, $3  }
0x1: {  	(tag) =	ssettag $0x0;
	lr =	simm.s32 $0x1  }
0x2: {  	[smem:$0x3F9F] =	sst lr;
	_ =	strace $0xD0000000  }
0x3: {  	_ = 	snop  }
0x4: {  	_ = 	snop  }
0x5: {  	_ = 	snop  }
0x6: {  	_ = 	snop  }
0x7: {  	_ = 	snop  }
__scs_overlays_trampoline_lowered:
0x8: {  	[smem:$0x3FAE] =	sst s0  }
0x9: {  	[smem:$0x3FAF] =	sst s1  }
0xa: {  	[smem:$0x3FB0] =	sst s2  }
0xb: {  	[smem:$0x3FB1] =	sst s3  }
0xc: {  	[smem:$0x3FB2] =	sst s4  }
0xd: {  	[smem:$0x3FB3] =	sst s5  }
0xe: {  	[smem:$0x3FB4] =	sst s6  }
0xf: {  	[smem:$0x3FB5] =	sst s7  }
0x10: {  	[smem:$0x3FB6] =	sst s8  }
0x11: {  	[smem:$0x3FB7] =	sst s9;
	s0 =	simm.s32 @!p0 $0x0  }
0x12: {  	s1 =	sld [smem:$0x3F9D];
	s0 =	simm.s32 @p0 $0x1  }
0x13: {  	[smem:$0x3FB8] =	sst s0;
	s0 =	simm.s32 @!p1 $0x0  }
0x14: {  	s2 =	sld [smem:$0x3F9C];
	s0 =	simm.s32 @p1 $0x1  }
0x15: {  	[smem:$0x3FB9] =	sst s0;
	s0 =	simm.s32 @!p2 $0x0  }
0x16: {  	s3 =	sld [smem:$0x3FDB];
	s0 =	simm.s32 @p2 $0x1  }
0x17: {  	s4 =	simm.s32 $0x1BF5;
	[smem:$0x3FBB] =	sst s0  }
0x18: {  	s0 =	sld [smem:$0x3F9E];
	_ =	swait.ge [sflag:s4], $0x0  }
0x19: {  	s7 =	sld [smem:$0x3F9F]  }
0x1a: {  	s8 =	sadd.s32 $0xFFFFE003, lr  }
0x1b: {  	s9 =	sadd.s32 $0xFFFFFEF7, lr;
	s5 =	simm.s32 $0xFFFFFFFF;
	p2 =	slt.u32 s8, $0xFFFFF086  }
0x1c: {  	p1 =	slt.u32 s9, $0xF7A;
	s5 =	simm.s32 @!p2 $0x0  }
0x1d: {  	s5 =	simm.s32 @p1 $0x1;
	p0 =	seq.s32 s7, s2  }
0x1e: {  	s7 =	smul.u32 @!p0 $0xF7A, s2;
	p2 =	seq.s32 @!p0 s5, $0x0  }
0x1f: {  	s9 =	smul.u32 $0xF7A, s1;
	s8 =	simm.s32 @!p0 $0x1BF5;
	p2 =	por !p2, p0  }
0x20: {  	[sflag:s8] =	ssyncset.s32 @!p0 $0xFFFFF086;
	s6 =	sadd.s32 @!p0 s3, s7;
	s7 =	simm.s32 @!p0 $0x108  }
0x21: {  	s3 =	sadd.s32 s3, s9;
	s6 =	sadd.s32 @!p0 $0x88, s6;
	s7 =	simm.s32 @p2 $0x1082  }
0x22: {  	[simem:s7], [sflag:s8] =	dma.local @!p0 [hbm:s6], $0xF7A  }
0x23: {  	s9 =	sor.u32 $0xD0000000, s2;
	s6 =	simm.s32 $0x108;
	_ =	swait.ge @!p0 [sflag:s8], $0x0  }
0x24: {  	s3 =	sadd.s32 $0x88, s3;
	s6 =	simm.s32 @!p1 $0x1082;
	[sflag:s4] =	ssyncset.s32 $0xFFFFF086  }
0x25: {  	[simem:s6], [sflag:s4] =	dma.local [hbm:s3], $0xF7A  }
0x26: {  	[smem:$0x3F9F] =	sst s1;
	(tag) =	ssettag s2;
	_ =	strace s9  }
0x27: {  	s1 =	sld [smem:$0x3FAF]  }
0x28: {  	s2 =	sld [smem:$0x3FB0]  }
0x29: {  	s4 =	sld [smem:$0x3FB2]  }
0x2a: {  	p0 =	seq.s32 s5, $0x0;
	s5 =	sld [smem:$0x3FB3]  }
0x2b: {  	s6 =	sld [smem:$0x3FB4]  }
0x2c: {  	s7 =	sld [smem:$0x3FB5]  }
0x2d: {  	s3 =	simm.s32 $0x108;
	s8 =	sld [smem:$0x3FB6]  }
0x2e: {  	s3 =	simm.s32 @!p0 $0x1082;
	s9 =	sld [smem:$0x3FB7]  }
0x2f: {  	lr =	sadd.s32 s0, s3;
	s0 =	sld [smem:$0x3FAE]  }
0x30: {  	s3 =	sld [smem:$0x3FB1]  }
0x31: {  	[smem:$0x3FBA] =	sst s10  }
0x32: {  	s10 =	sld [smem:$0x3FB8];
	_ =	sdelay $0x3  }
0x33: {  	p0 =	seq.s32 s10, $0x1;
	s10 =	sld [smem:$0x3FBA];
	_ =	sdelay $0x3  }
0x34: {  	[smem:$0x3FBA] =	sst s10  }
0x35: {  	s10 =	sld [smem:$0x3FB9];
	_ =	sdelay $0x3  }
0x36: {  	p1 =	seq.s32 s10, $0x1;
	s10 =	sld [smem:$0x3FBA];
	_ =	sdelay $0x3  }
0x37: {  	[smem:$0x3FBA] =	sst s10  }
0x38: {  	s10 =	sld [smem:$0x3FBB]  }
0x39: {  	_ = 	snop;
	(pc) =	sbr.ind lr, $3  }
0x3a: {  	_ = 	snop  }
0x3b: {  	_ = 	snop  }
0x3c: {  	p2 =	seq.s32 s10, $0x1;
	s10 =	sld [smem:$0x3FBA]  }
0x3d: {  	_ =	shalt  }
0x3e: {  	_ =	shalt  }
0x3f: {  	_ =	shalt  }
0x40: {  	_ =	shalt  }
0x41: {  	_ =	shalt  }
0x42: {  	_ =	shalt  }
0x43: {  	_ =	shalt  }
0x44: {  	_ =	shalt  }
0x45: {  	_ =	shalt  }
0x46: {  	_ =	shalt  }
0x47: {  	_ =	shalt  }
0x48: {  	_ =	shalt  }
0x49: {  	_ =	shalt  }
0x4a: {  	_ =	shalt  }
0x4b: {  	_ =	shalt  }
0x4c: {  	_ =	shalt  }
0x4d: {  	_ =	shalt  }
0x4e: {  	_ =	shalt  }
0x4f: {  	_ =	shalt  }
0x50: {  	_ =	shalt  }
0x51: {  	_ =	shalt  }
0x52: {  	_ =	shalt  }
0x53: {  	_ =	shalt  }
0x54: {  	_ =	shalt  }
0x55: {  	_ =	shalt  }
0x56: {  	_ =	shalt  }
0x57: {  	_ =	shalt  }
0x58: {  	_ =	shalt  }
0x59: {  	_ =	shalt  }
0x5a: {  	_ =	shalt  }
0x5b: {  	_ =	shalt  }
0x5c: {  	_ =	shalt  }
0x5d: {  	_ =	shalt  }
0x5e: {  	_ =	shalt  }
0x5f: {  	_ =	shalt  }
0x60: {  	_ =	shalt  }
0x61: {  	_ =	shalt  }
0x62: {  	_ =	shalt  }
0x63: {  	_ =	shalt  }
0x64: {  	_ =	shalt  }
0x65: {  	_ =	shalt  }
0x66: {  	_ =	shalt  }
0x67: {  	_ =	shalt  }
0x68: {  	_ =	shalt  }
0x69: {  	_ =	shalt  }
0x6a: {  	_ =	shalt  }
0x6b: {  	_ =	shalt  }
0x6c: {  	_ =	shalt  }
0x6d: {  	_ =	shalt  }
0x6e: {  	_ =	shalt  }
0x6f: {  	_ =	shalt  }
0x70: {  	_ =	shalt  }
0x71: {  	_ =	shalt  }
0x72: {  	_ =	shalt  }
0x73: {  	_ =	shalt  }
0x74: {  	_ =	shalt  }
0x75: {  	_ =	shalt  }
0x76: {  	_ =	shalt  }
0x77: {  	_ =	shalt  }
0x78: {  	_ =	shalt  }
0x79: {  	_ =	shalt  }
0x7a: {  	_ =	shalt  }
0x7b: {  	_ =	shalt  }
0x7c: {  	_ =	shalt  }
0x7d: {  	_ =	shalt  }
0x7e: {  	_ =	shalt  }
0x7f: {  	_ =	shalt  }
0x80: {  	_ =	shalt  }
0x81: {  	_ =	shalt  }
0x82: {  	_ =	shalt  }
0x83: {  	_ =	shalt  }
0x84: {  	_ =	shalt  }
0x85: {  	_ =	shalt  }
0x86: {  	_ =	shalt  }
0x87: {  	_ =	shalt  }
.Lfunc_end0:
.L_simem_size_0:
called_computation_lowered:
.L_overlay_start_0:
0x88: {  	s2 =	sld [smem:$0x3FD9]  }
0x89: {  	s3 =	sld [smem:$0x3FFE];
	_ =	sdelay $0x1  }
0x8a: {  	s1 =	srdreg.scid  }
0x8b: {  	s0 =	sand.u32 $0x1, s1  }
0x8c: {  	s18 =	sshll.u32 s0, $0xA;
	s2 =	sadd.s32 s3, s2  }
0x8d: {  	s2 =	sadd.s32 s2, s18  }
0x8e: {  	[smem:$0x3FC6] =	sst s2  }
0x8f: {  	_ = 	snop  }
0x90: {  	s2 =	sld [smem:$0x3FC9]  }
0x91: {  	s19 =	sld [smem:$0x3FC8]  }
0x92: {  	s4 =	sld [smem:$0x3FD0];
	(tm) =	ssettm $0x1  }
0x93: {  	s5 =	sld [smem:$0x3FFB];
	_ =	sdelay $0x3  }
0x94: {  	_ =	strace s5  }
0x95: {  	s5 =	sld [smem:$0x3FFC];
	_ =	sdelay $0x3  }
0x96: {  	_ =	strace s5  }
0x97: {  	s5 =	sld [smem:$0x3FFD];
	_ =	sdelay $0x3  }
0x98: {  	_ =	strace s5  }
0x99: {  	_ =	strace $0x8FFFFFFF  }
0x9a: {  	s20 =	sld [smem:$0x3FDB];
	_ =	sdelay $0x1  }
0x9b: {  	s6 =	simm.s32 $_scs_section_size  }
0x9c: {  	s7 =	simm.s32 $_size__tile_overlayer_lowered;
	s8 =	simm.s32 $_tile_overlayer_lowered  }
0x9d: {  	s23 =	simm.s32 $0x1BFF;
	s22 =	sshll.u32 s8, $0x1;
	s5 =	sadd.s32 s6, s20  }
0x9e: {  	s9 =	simm.s32 $0x0;
	s21 =	sshll.u32 s7, $0x1;
	s7 =	sadd.s32 s22, s5  }
0x9f: {  	[timem:s9], [sflag:s23] =	dma.local [hbm:s7], s21  }
0xa0: {  	_ =	swait.ge [sflag:s23], s21  }
0xa1: {  	s6 =	ssub.s32 $0x0, s21;
	[sflag:s23] =	ssyncset.done $0x0  }
0xa2: {  	[sflag:s23] =	ssyncadd.s32 s6;
	_ =	sdelay $0x1  }
0xa3: {  	s24 =	simm.s32 $0x1B8B  }
0xa4: {  	_ =	swait.ge [sflag:s24], $0x1  }
0xa5: {  	[sflag:s24] =	ssyncset.done $0x0  }
0xa6: {  	s25 =	simm.s32 $0x1B8E;
	[sflag:s24] =	ssyncadd.s32 $0xFFFFFFFF  }
0xa7: {  	s26 =	simm.s32 $execute0_lowered;
	[smem:$0x3FD2] =	sst s25  }
0xa8: {  	s6 =	sshll.u32 s26, $0x1;
	_ =	strace $0x80000046;
	[dreg:$0x1] =	wrdreg $0xFFFFFFFF  }
0xa9: {  	s28 =	simm.s32 $_size_execute0_lowered;
	s5 =	sadd.s32 s5, s6;
	[dreg:$0x0] =	wrdreg $0x0  }
0xaa: {  	s6 =	sshll.u32 s28, $0x1;
	[dreg:$0x2] =	wrdreg s5  }
0xab: {  	[dreg:$0x3] =	wrdreg s6  }
0xac: {  	[dreg:$0x4] =	wrdreg $0xC0  }
0xad: {  	_ =	task [dreg:s9], $0x5FFFF  }
0xae: {  	[dreg:$0x1] =	wrdreg $0xFFFFFFFF  }
0xaf: {  	[dreg:$0x0] =	wrdreg $0x60  }
0xb0: {  	[dreg:$0x2] =	wrdreg s2  }
0xb1: {  	[dreg:$0x3] =	wrdreg s19  }
0xb2: {  	[dreg:$0x4] =	wrdreg s4  }
0xb3: {  	[dreg:$0x5] =	wrdreg $0x9  }
0xb4: {  	_ =	task.clear_ibuf [dreg:s9], $0x6FFFF;
	_ =	strace $0x90000046  }
0xb5: {  	s29 =	simm.s32 $0x9;
	_ =	strace $0x80000048  }
0xb6: {  	_ =	swait.ge [sflag:s29], $0x1  }
0xb7: {  	[sflag:s29] =	ssyncadd.s32 $0xFFFFFFFF  }
0xb8: {  	_ =	strace $0x90000048  }
0xb9: {  	_ =	sfence  }
0xba: {  	s30 =	sld [smem:$0x0];
	_ =	sdelay $0x2  }
0xbb: {  	s31 =	sshll.u32 s1, $0xD;
	s1 =	sshrl.u32 s1, $0x2  }
0xbc: {  	s3 =	sand.u32 $0x4000, s31;
	s1 =	sadd.s32 s1, s30  }
0xbd: {  	s0 =	sor.u32 s3, s0;
	s1 =	sshll.u32 s1, $0x11  }
0xbe: {  	s0 =	sor.u32 s1, s0  }
0xbf: {  	s0 =	sadd.s32 $0x8F2B, s0  }
0xc0: {  	[sflag:s0] =	ssyncadd.remote.s32 $0x1  }
0xc1: {  	_ =	sfence.sel $0xFFFF  }
0xc2: {  	[dreg:$0x0] =	wrdreg $0xFFFFFFFF;
	(pc) =	sbr.abs _section_cstart, $3  }
0xc3: {  	[dreg:$0x1] =	wrdreg $0xFFFFFFFF  }
0xc4: {  	_ =	task.clear_ibuf [dreg:s9], $0x2FFFF;
	_ =	strace $0x9FFFFFFF  }
0xc5: {  	(tm) =	ssettm $0x7FFFFFFF  }
tec
execute0_lowered:
.L_overlay_start_1:
0x0: {  	(tag) =	ssettag $0x1  }
0x1: {  	s1 =	rddreg [dreg:$0x0]  }
0x2: {  	s3 =	rddreg [dreg:$0x1];
	s2 =	srdreg.scid  }
0x3: {  	s0 =	stileid.u32;
	s5 =	rddreg [dreg:$0x2];
	s4 =	simm.s32 $0x0  }
0x4: {  	s10 =	simm.s32 $0x0;
	s6 =	sand.u32 $0x1, s2;
	s7 =	sshll.u32 s0, $0x1  }
0x5: {  	s2 =	rddreg [dreg:$0x3];
	s7 =	sor.u32 s6, s7;
	s6 =	ssub.s32 $0x2, s6  }
0x6: {  	[smem:$0x7FF] =	sst s4;
	s8 =	smul.u32 $0x2710, s7;
	s30 =	sshrl.u32 s6, $0x1  }
0x7: {  	_ =	strace $0x80000047;
	s7 =	simm.s32 $0x1;
	s6 =	ssub.s32 s6, s30  }
0x8: {  	s9 =	sadd.s32 $0x2710, s8;
	s31 =	sshrl.u32 s8, $0x3;
	s6 =	smax.u32 s6, $0x1  }
0x9: {  	v2 =	vimm.f32 $1.000000000e+00;
	v0 =	vmov s8;
	s8 =	simm.s32 $0x1000;
	s5 =	sadd.s32 s5, s31;
	v1 =	vmov s9;
	s9 =	simm.s32 $0x2000  }
.LBB2_1:
0xa: {  	[tilespmem:s4], [sflag:$0x1] =	stream.linear.gather [hbm4b:s1+s4], $0x1000, $0x38;
	[tilespmem:$0x4780] =	vst v63  }
0xb: {  	_ =	swait.ge [sflag:s7], $0x1000  }
0xc: {  	[sflag:s7] =	ssyncset.done $0x0  }
0xd: {  	[sflag:s7] =	ssyncadd.s32 $0xFFFFF000  }
0xe: {  	[tilespmem:s8], [sflag:$0x1] =	stream.linear.gather [hbm4b:s3+s4], $0x1000, $0x38;
	[tilespmem:$0x4780] =	vst v63  }
0xf: {  	_ =	swait.ge [sflag:s7], $0x1000  }
0x10: {  	[sflag:s7] =	ssyncset.done $0x0  }
0x11: {  	s11 =	simm.s32 $0x0;
	[sflag:s7] =	ssyncadd.s32 $0xFFFFF000  }
.LBB2_2:
0x12: {  	p0 =	sne.s32 s11, $0x9C00  }
.Ltmp0:
0x13: {  	_ = 	snop;
	(pc) =	sbr.rel @p0 .LBB2_2-.Ltmp0, $3  }
0x14: {  	_ =	sdelay $0x1  }
0x15: {  	s12 =	sshra.s32 s11, $0x2  }
0x16: {  	s11 =	sadd.s32 $0x40, s11;
	[tilespmem:s12+$0x2000] =	vst v2  }
0x17: {  	s12 =	simm.s32 $0x0;
	s11 =	simm.s32 $0x40  }
.LBB2_4:
0x18: {  	p0 =	sne.s32 s11, $0x3FC0;
	v3 =	vld [tilespmem:s12+$0x1000];
	_ =	sdelay $0x4  }
0x19: {  	v3 =	vsub.f32 $0.0e+00, v3;
	_ =	sdelay $0x1  }
0x1a: {  	v3 =	vmul.f32 $1.442695020e+00, v3;
	_ =	sdelay $0x1  }
0x1b: {  	(erf) = vpow2.f32 v3;
	_ =	sdelay $0x8  }
0x1c: {  	v3 =	vld [tilespmem:s12+$0x0];
	v4 =	vpop (erf)  }
0x1d: {  	v4 =	vadd.f32 $1.000000000e+00, v4;
	_ =	sdelay $0x1  }
0x1e: {  	(erf) = vrcp.f32 v4;
	_ =	sdelay $0x1  }
0x1f: {  	v4 =	vsub.s32 v3, v0  }
0x20: {  	vm0 =	vge.s32 v3, v0;
	vm1 =	vlt.s32 v3, v1;
	vm2 =	vgt.s32 v4, $0x0  }
0x21: {  	vm0 =	vmand vm0, vm1;
	v3 =	vnsel vm2, $0x0, v4  }
0x22: {  	v3 =	vmin.u32 v3, $0x270F  }
.Ltmp1:
0x23: {  	(pc) =	sbr.rel @p0 .LBB2_4-.Ltmp1, $3  }
0x24: {  	_ =	sdelay $0x1  }
0x25: {  	v4 =	vpop (erf)  }
0x26: {  	s12 =	sshra.s32 s11, $0x2;
	s11 =	sadd.s32 $0x40, s11;
	[tilespmem:v3+s9+$0x0] =	vst.idx.msk vm0, v4  }
0x27: {  	v3 =	vld [tilespmem:s12+$0x1000];
	_ =	sdelay $0x4  }
0x28: {  	v3 =	vsub.f32 $0.0e+00, v3;
	_ =	sdelay $0x1  }
0x29: {  	v3 =	vmul.f32 $1.442695020e+00, v3;
	_ =	sdelay $0x1  }
0x2a: {  	(erf) = vpow2.f32 v3;
	_ =	sdelay $0x8  }
0x2b: {  	v3 =	vld [tilespmem:s12+$0x0];
	v4 =	vpop (erf)  }
0x2c: {  	v4 =	vadd.f32 $1.000000000e+00, v4;
	_ =	sdelay $0x1  }
0x2d: {  	(erf) = vrcp.f32 v4;
	_ =	sdelay $0x1  }
0x2e: {  	v62 =	vsub.s32 v3, v0  }
0x2f: {  	vm0 =	vge.s32 v3, v0;
	vm1 =	vlt.s32 v3, v1;
	vm2 =	vgt.s32 v62, $0x0  }
0x30: {  	vm0 =	vmand vm0, vm1;
	v3 =	vnsel vm2, $0x0, v62  }
0x31: {  	v3 =	vmin.u32 v3, $0x270F;
	_ =	sdelay $0x2  }
0x32: {  	s10 =	sadd.s32 $0x1, s10  }
0x33: {  	p0 =	sne.s32 s10, s6;
	v63 =	vpop (erf)  }
.Ltmp2:
0x34: {  	[tilespmem:v3+s9+$0x0] =	vst.idx.msk vm0, v63;
	(pc) =	sbr.rel @p0 .LBB2_1-.Ltmp2, $4  }
0x35: {  	[hbm4b:s5+s4] =	stream.linear.scatter [tilespmem:s9], [sflag:$0x1], $0x2710, $0x38;
	[tilespmem:$0x4780] =	vst v63  }
0x36: {  	_ =	swait.ge [sflag:s7], $0x2710  }
0x37: {  	[sflag:s7] =	ssyncset.done $0x0  }
0x38: {  	[sflag:s7] =	ssyncadd.s32 $0xFFFFD8F0  }
0x39: {  	_ =	sfence.sel $0x180000  }
0x3a: {  	[bflag:$0x0] =	sbarrier.arrive $0xFFFF  }
0x3b: {  	p0 =	sne.s32 s0, $0x0;
	_ =	strace $0x90000047  }
0x3c: {  	s0 =	sadd.s32 @!p0 $0x100000, s2;
	[bflag:$0x2] =	sbarrier.arrive $0xFFFF  }
0x3d: {  	[sflag:s0] =	ssyncadd.tile.s32 @!p0 $0x1;
	_ =	shalt  }
.Lfunc_end2:
_tile_overlayer_lowered:
.L_overlay_start_2:
0x3e: {  	(tag) =	ssettag $0x2  }
0x3f: {  	s0 =	rddreg [dreg:$0x0];
	s2 =	stileid.u32  }
0x40: {  	s1 =	rddreg [dreg:$0x1];
	p0 =	sne.s32 s2, $0x0  }
0x41: {  	s3 =	rddreg [dreg:$0x2];
	[bflag:$0x3] =	sbarrier.arrive $0xFFFF;
	s2 =	simm.s32 @!p0 $0x1C02  }
0x42: {  	[timem:s3], [sflag:s2] =	dma.local @!p0 [hbm:s0], s1  }
0x43: {  	s0 =	simm.s32 @!p0 $0x2  }
0x44: {  	_ =	swait.ge @!p0 [sflag:s0], s1  }
0x45: {  	s1 =	ssub.s32 @!p0 $0x0, s1;
	[sflag:s0] =	ssyncset.done @!p0 $0x0  }
0x46: {  	[sflag:s0] =	ssyncadd.s32 @!p0 s1  }
0x47: {  	[bflag:$0x3] =	sbarrier.arrive $0xFFFF  }
0x48: {  	_ =	shalt  }

</sc_bundles>
